<compile_context>
chip_gen: v7x
topology: tpu7x:2x2x1
jax: 0.10.2.dev20260603
libtpu: 0.0.44.dev20260713+nightly
codegen_flags: <defaults>
</compile_context>

<pallas_src>
import jax
import jax.numpy as jnp
from jax import lax
from jax.experimental import pallas as pl
from jax.experimental.pallas import tpu as pltpu
from jax.experimental.pallas import tpu_sc as plsc

EMBED_DIM = 11
PAD_DIM = 16
BATCH = 16384
LANES = 16


def _make_sc_gather(num_workers: int, b_per_w: int):
    mesh = plsc.VectorSubcoreMesh(core_axis_name="c", subcore_axis_name="s")
    w_per_w = b_per_w * PAD_DIM
    n_chunks = b_per_w // LANES

    @pl.kernel(
        out_type=jax.ShapeDtypeStruct((BATCH * PAD_DIM,), jnp.float32),
        mesh=mesh,
        scratch_types=[
            pltpu.VMEM((b_per_w,), jnp.int32),
            pltpu.VMEM((w_per_w,), jnp.int32),
            pltpu.VMEM((w_per_w,), jnp.float32),
            pltpu.SemaphoreType.DMA,
        ],
        compiler_params=pltpu.CompilerParams(
            use_tc_tiling_on_sc=False, needs_layout_passes=False
        ),
    )
    def k(idx_hbm, table_hbm, out_hbm, idx_v, widx_v, vals_v, sem):
        wid = lax.axis_index("s") * 2 + lax.axis_index("c")
        pltpu.sync_copy(idx_hbm.at[pl.ds(wid * b_per_w, b_per_w)], idx_v)

        lane_iota = jax.lax.iota(jnp.int32, LANES)

        def expand(kk, carry):
            base = idx_v[pl.ds(kk * LANES, LANES)] * EMBED_DIM
            dst0 = kk * (LANES * PAD_DIM)
            for c in range(PAD_DIM):
                vals = base + min(c, EMBED_DIM - 1)
                plsc.store_scatter(widx_v, [dst0 + lane_iota * PAD_DIM + c], vals)
            return carry

        lax.fori_loop(0, n_chunks, expand, 0)

        pltpu.async_copy(table_hbm.at[widx_v], vals_v, sem).wait()
        pltpu.sync_copy(vals_v, out_hbm.at[pl.ds(wid * w_per_w, w_per_w)])

    return k


def kernel(device_num_tensor, table):
    info = plsc.get_sparse_core_info()
    num_workers = info.num_cores * info.num_subcores
    b_per_w = BATCH // num_workers
    idx = device_num_tensor.astype(jnp.int32)
    flat = table.reshape(-1)
    out = _make_sc_gather(num_workers, b_per_w)(idx, flat)
    return out.reshape(BATCH, PAD_DIM)[:, :EMBED_DIM]

# --- scband reference (transcript-rebuilt; emitter-appended) ---
"""Pipeline reference for scband-embedding-model-90048284328523 (READ-ONLY COPY).

The authoritative reference and input builder live on the scoring server;
editing this copy changes nothing except your own understanding.
"""

import jax, jax.numpy as jnp
import numpy as np

NUM_DEVICES = 1000000
EMBED_DIM = 11
BATCH = 16384

def setup_inputs(seed: int = 0) -> dict:
    key = jax.random.key(seed)
    k_idx, k_tab = jax.random.split(key)
    device_num_tensor = jax.random.randint(k_idx, (BATCH,), 0, NUM_DEVICES, dtype=jnp.int64 if jax.config.jax_enable_x64 else jnp.int32)
    # nn.Embedding default init: N(0, 1)
    table = jax.random.normal(k_tab, (NUM_DEVICES, EMBED_DIM), dtype=jnp.float32)
    return {"device_num_tensor": device_num_tensor, "table": table}

def reference(device_num_tensor, table):
    # Faithful translation of EmbeddingModel.forward: a single embedding gather.
    device_num_embedding = jnp.take(table, device_num_tensor, axis=0)
    return device_num_embedding

if __name__ == "__main__":
    import jax
    _d = setup_inputs()
    print(jax.jit(kernel)(*tuple(_d.values())))

</pallas_src>

<mosaic_0001>
#map = affine_map<(d0, d1) -> (0)>
module attributes {stable_mosaic.version = 14 : i64} {
  func.func @k(%arg0: i32, %arg1: i32, %arg2: memref<16384xi32, #tpu.memory_space<hbm>>, %arg3: memref<11000000xf32, #tpu.memory_space<hbm>>, %arg4: memref<262144xf32, #tpu.memory_space<hbm>>, %arg5: memref<512xi32, #tpu.memory_space<vmem>>, %arg6: memref<8192xi32, #tpu.memory_space<vmem>>, %arg7: memref<8192xf32, #tpu.memory_space<vmem>>, %arg8: memref<!tpu.dma_semaphore, #tpu.memory_space<semaphore_mem>>) attributes {dimension_semantics = [#tpu.dimension_semantics<core_parallel>, #tpu.dimension_semantics<subcore_parallel>], iteration_bounds = array<i64: 2, 16>, scalar_prefetch = 0 : i64, scratch_operands = 4 : i64, tpu.core_type = #tpu.core_type<sc_vector_subcore>, window_params = [{transform_indices = #map}, {transform_indices = #map}, {transform_indices = #map}]} {
    %mul3A = arith.constant 2 : i32
    %mul3A_0 = arith.muli %arg1, %mul3A : i32
    %add3A = arith.addi %mul3A_0, %arg0 : i32
    %mul3A_1 = arith.constant 512 : i32
    %mul3A_2 = arith.muli %add3A, %mul3A_1 : i32
    "tpu.region"() ({
      %run_scoped3A = tpu.sem_alloc : memref<!tpu.dma_semaphore, #tpu.memory_space<semaphore_mem>>
      %dma_start3A_12 = tpu.memref_slice %arg2[%mul3A_2] : memref<16384xi32, #tpu.memory_space<hbm>> -> memref<512xi32, #tpu.memory_space<hbm>>
      %dma_start3A_13 = tpu.memref_slice %arg2[%mul3A_2] : memref<16384xi32, #tpu.memory_space<hbm>> -> memref<512xi32, #tpu.memory_space<hbm>>
      tpu.enqueue_dma source(%dma_start3A_13 : memref<512xi32, #tpu.memory_space<hbm>>) target(%arg5 : memref<512xi32, #tpu.memory_space<vmem>>) target_semaphore(%run_scoped3A : memref<!tpu.dma_semaphore, #tpu.memory_space<semaphore_mem>>)
      %dma_wait3A_14 = tpu.memref_slice %arg2[%mul3A_2] : memref<16384xi32, #tpu.memory_space<hbm>> -> memref<512xi32, #tpu.memory_space<hbm>>
      %dma_wait3A_15 = tpu.memref_slice %arg2[%mul3A_2] : memref<16384xi32, #tpu.memory_space<hbm>> -> memref<512xi32, #tpu.memory_space<hbm>>
      tpu.wait_dma2 semaphore(%run_scoped3A : memref<!tpu.dma_semaphore, #tpu.memory_space<semaphore_mem>>) src(%dma_wait3A_15 : memref<512xi32, #tpu.memory_space<hbm>>) dst(%arg5 : memref<512xi32, #tpu.memory_space<vmem>>)
      tpu.yield
    }) : () -> ()
    %iota3A = tpu.iota {dimensions = array<i32: 0>} : vector<16xi32>
    %scan3A = arith.constant 0 : i32
    %scan3A_3 = arith.constant 0 : i32
    %scan3A_4 = arith.constant 32 : i32
    %scan3A_5 = arith.addi %scan3A_3, %scan3A_4 : i32
    %scan3A_6 = arith.constant 1 : i32
    scf.for %scan3A_12 = %scan3A_3 to %scan3A_5 step %scan3A_6  : i32 {
      %mul3A_13 = arith.constant 16 : i32
      %mul3A_14 = arith.muli %scan3A_12, %mul3A_13 : i32
      %get3A = arith.index_cast %mul3A_14 : i32 to index
      %get3A_15 = tpu.vector_load %arg5[%get3A] {strides = array<i32>} : memref<512xi32, #tpu.memory_space<vmem>>, vector<16xi32>,
      %mul3A_16 = arith.constant 11 : i32
      %mul3A_17 = vector.broadcast %mul3A_16 : i32 to vector<16xi32>
      %mul3A_18 = arith.muli %get3A_15, %mul3A_17 : vector<16xi32>
      %mul3A_19 = arith.constant 256 : i32
      %mul3A_20 = arith.muli %scan3A_12, %mul3A_19 : i32
      %add3A_21 = arith.constant 0 : i32
      %add3A_22 = vector.broadcast %add3A_21 : i32 to vector<16xi32>
      %add3A_23 = arith.addi %mul3A_18, %add3A_22 : vector<16xi32>
      %mul3A_24 = arith.constant 16 : i32
      %mul3A_25 = vector.broadcast %mul3A_24 : i32 to vector<16xi32>
      %mul3A_26 = arith.muli %iota3A, %mul3A_25 : vector<16xi32>
      %add3A_27 = vector.broadcast %mul3A_20 : i32 to vector<16xi32>
      %add3A_28 = arith.addi %add3A_27, %mul3A_26 : vector<16xi32>
      %add3A_29 = arith.constant 0 : i32
      %add3A_30 = vector.broadcast %add3A_29 : i32 to vector<16xi32>
      %add3A_31 = arith.addi %add3A_28, %add3A_30 : vector<16xi32>
      tpu.vector_store_idx %arg6[%add3A_31], %add3A_23 : memref<8192xi32, #tpu.memory_space<vmem>>[vector<16xi32>], vector<16xi32>,
      %add3A_32 = arith.constant 1 : i32
      %add3A_33 = vector.broadcast %add3A_32 : i32 to vector<16xi32>
      %add3A_34 = arith.addi %mul3A_18, %add3A_33 : vector<16xi32>
      %mul3A_35 = arith.constant 16 : i32
      %mul3A_36 = vector.broadcast %mul3A_35 : i32 to vector<16xi32>
      %mul3A_37 = arith.muli %iota3A, %mul3A_36 : vector<16xi32>
      %add3A_38 = vector.broadcast %mul3A_20 : i32 to vector<16xi32>
      %add3A_39 = arith.addi %add3A_38, %mul3A_37 : vector<16xi32>
      %add3A_40 = arith.constant 1 : i32
      %add3A_41 = vector.broadcast %add3A_40 : i32 to vector<16xi32>
      %add3A_42 = arith.addi %add3A_39, %add3A_41 : vector<16xi32>
      tpu.vector_store_idx %arg6[%add3A_42], %add3A_34 : memref<8192xi32, #tpu.memory_space<vmem>>[vector<16xi32>], vector<16xi32>,
      %add3A_43 = arith.constant 2 : i32
      %add3A_44 = vector.broadcast %add3A_43 : i32 to vector<16xi32>
      %add3A_45 = arith.addi %mul3A_18, %add3A_44 : vector<16xi32>
      %mul3A_46 = arith.constant 16 : i32
      %mul3A_47 = vector.broadcast %mul3A_46 : i32 to vector<16xi32>
      %mul3A_48 = arith.muli %iota3A, %mul3A_47 : vector<16xi32>
      %add3A_49 = vector.broadcast %mul3A_20 : i32 to vector<16xi32>
      %add3A_50 = arith.addi %add3A_49, %mul3A_48 : vector<16xi32>
      %add3A_51 = arith.constant 2 : i32
      %add3A_52 = vector.broadcast %add3A_51 : i32 to vector<16xi32>
      %add3A_53 = arith.addi %add3A_50, %add3A_52 : vector<16xi32>
      tpu.vector_store_idx %arg6[%add3A_53], %add3A_45 : memref<8192xi32, #tpu.memory_space<vmem>>[vector<16xi32>], vector<16xi32>,
      %add3A_54 = arith.constant 3 : i32
      %add3A_55 = vector.broadcast %add3A_54 : i32 to vector<16xi32>
      %add3A_56 = arith.addi %mul3A_18, %add3A_55 : vector<16xi32>
      %mul3A_57 = arith.constant 16 : i32
      %mul3A_58 = vector.broadcast %mul3A_57 : i32 to vector<16xi32>
      %mul3A_59 = arith.muli %iota3A, %mul3A_58 : vector<16xi32>
      %add3A_60 = vector.broadcast %mul3A_20 : i32 to vector<16xi32>
      %add3A_61 = arith.addi %add3A_60, %mul3A_59 : vector<16xi32>
      %add3A_62 = arith.constant 3 : i32
      %add3A_63 = vector.broadcast %add3A_62 : i32 to vector<16xi32>
      %add3A_64 = arith.addi %add3A_61, %add3A_63 : vector<16xi32>
      tpu.vector_store_idx %arg6[%add3A_64], %add3A_56 : memref<8192xi32, #tpu.memory_space<vmem>>[vector<16xi32>], vector<16xi32>,
      %add3A_65 = arith.constant 4 : i32
      %add3A_66 = vector.broadcast %add3A_65 : i32 to vector<16xi32>
      %add3A_67 = arith.addi %mul3A_18, %add3A_66 : vector<16xi32>
      %mul3A_68 = arith.constant 16 : i32
      %mul3A_69 = vector.broadcast %mul3A_68 : i32 to vector<16xi32>
      %mul3A_70 = arith.muli %iota3A, %mul3A_69 : vector<16xi32>
      %add3A_71 = vector.broadcast %mul3A_20 : i32 to vector<16xi32>
      %add3A_72 = arith.addi %add3A_71, %mul3A_70 : vector<16xi32>
      %add3A_73 = arith.constant 4 : i32
      %add3A_74 = vector.broadcast %add3A_73 : i32 to vector<16xi32>
      %add3A_75 = arith.addi %add3A_72, %add3A_74 : vector<16xi32>
      tpu.vector_store_idx %arg6[%add3A_75], %add3A_67 : memref<8192xi32, #tpu.memory_space<vmem>>[vector<16xi32>], vector<16xi32>,
      %add3A_76 = arith.constant 5 : i32
      %add3A_77 = vector.broadcast %add3A_76 : i32 to vector<16xi32>
      %add3A_78 = arith.addi %mul3A_18, %add3A_77 : vector<16xi32>
      %mul3A_79 = arith.constant 16 : i32
      %mul3A_80 = vector.broadcast %mul3A_79 : i32 to vector<16xi32>
      %mul3A_81 = arith.muli %iota3A, %mul3A_80 : vector<16xi32>
      %add3A_82 = vector.broadcast %mul3A_20 : i32 to vector<16xi32>
      %add3A_83 = arith.addi %add3A_82, %mul3A_81 : vector<16xi32>
      %add3A_84 = arith.constant 5 : i32
      %add3A_85 = vector.broadcast %add3A_84 : i32 to vector<16xi32>
      %add3A_86 = arith.addi %add3A_83, %add3A_85 : vector<16xi32>
      tpu.vector_store_idx %arg6[%add3A_86], %add3A_78 : memref<8192xi32, #tpu.memory_space<vmem>>[vector<16xi32>], vector<16xi32>,
      %add3A_87 = arith.constant 6 : i32
      %add3A_88 = vector.broadcast %add3A_87 : i32 to vector<16xi32>
      %add3A_89 = arith.addi %mul3A_18, %add3A_88 : vector<16xi32>
      %mul3A_90 = arith.constant 16 : i32
      %mul3A_91 = vector.broadcast %mul3A_90 : i32 to vector<16xi32>
      %mul3A_92 = arith.muli %iota3A, %mul3A_91 : vector<16xi32>
      %add3A_93 = vector.broadcast %mul3A_20 : i32 to vector<16xi32>
      %add3A_94 = arith.addi %add3A_93, %mul3A_92 : vector<16xi32>
      %add3A_95 = arith.constant 6 : i32
      %add3A_96 = vector.broadcast %add3A_95 : i32 to vector<16xi32>
      %add3A_97 = arith.addi %add3A_94, %add3A_96 : vector<16xi32>
      tpu.vector_store_idx %arg6[%add3A_97], %add3A_89 : memref<8192xi32, #tpu.memory_space<vmem>>[vector<16xi32>], vector<16xi32>,
      %add3A_98 = arith.constant 7 : i32
      %add3A_99 = vector.broadcast %add3A_98 : i32 to vector<16xi32>
      %add3A_100 = arith.addi %mul3A_18, %add3A_99 : vector<16xi32>
      %mul3A_101 = arith.constant 16 : i32
      %mul3A_102 = vector.broadcast %mul3A_101 : i32 to vector<16xi32>
      %mul3A_103 = arith.muli %iota3A, %mul3A_102 : vector<16xi32>
      %add3A_104 = vector.broadcast %mul3A_20 : i32 to vector<16xi32>
      %add3A_105 = arith.addi %add3A_104, %mul3A_103 : vector<16xi32>
      %add3A_106 = arith.constant 7 : i32
      %add3A_107 = vector.broadcast %add3A_106 : i32 to vector<16xi32>
      %add3A_108 = arith.addi %add3A_105, %add3A_107 : vector<16xi32>
      tpu.vector_store_idx %arg6[%add3A_108], %add3A_100 : memref<8192xi32, #tpu.memory_space<vmem>>[vector<16xi32>], vector<16xi32>,
      %add3A_109 = arith.constant 8 : i32
      %add3A_110 = vector.broadcast %add3A_109 : i32 to vector<16xi32>
      %add3A_111 = arith.addi %mul3A_18, %add3A_110 : vector<16xi32>
      %mul3A_112 = arith.constant 16 : i32
      %mul3A_113 = vector.broadcast %mul3A_112 : i32 to vector<16xi32>
      %mul3A_114 = arith.muli %iota3A, %mul3A_113 : vector<16xi32>
      %add3A_115 = vector.broadcast %mul3A_20 : i32 to vector<16xi32>
      %add3A_116 = arith.addi %add3A_115, %mul3A_114 : vector<16xi32>
      %add3A_117 = arith.constant 8 : i32
      %add3A_118 = vector.broadcast %add3A_117 : i32 to vector<16xi32>
      %add3A_119 = arith.addi %add3A_116, %add3A_118 : vector<16xi32>
      tpu.vector_store_idx %arg6[%add3A_119], %add3A_111 : memref<8192xi32, #tpu.memory_space<vmem>>[vector<16xi32>], vector<16xi32>,
      %add3A_120 = arith.constant 9 : i32
      %add3A_121 = vector.broadcast %add3A_120 : i32 to vector<16xi32>
      %add3A_122 = arith.addi %mul3A_18, %add3A_121 : vector<16xi32>
      %mul3A_123 = arith.constant 16 : i32
      %mul3A_124 = vector.broadcast %mul3A_123 : i32 to vector<16xi32>
      %mul3A_125 = arith.muli %iota3A, %mul3A_124 : vector<16xi32>
      %add3A_126 = vector.broadcast %mul3A_20 : i32 to vector<16xi32>
      %add3A_127 = arith.addi %add3A_126, %mul3A_125 : vector<16xi32>
      %add3A_128 = arith.constant 9 : i32
      %add3A_129 = vector.broadcast %add3A_128 : i32 to vector<16xi32>
      %add3A_130 = arith.addi %add3A_127, %add3A_129 : vector<16xi32>
      tpu.vector_store_idx %arg6[%add3A_130], %add3A_122 : memref<8192xi32, #tpu.memory_space<vmem>>[vector<16xi32>], vector<16xi32>,
      %add3A_131 = arith.constant 10 : i32
      %add3A_132 = vector.broadcast %add3A_131 : i32 to vector<16xi32>
      %add3A_133 = arith.addi %mul3A_18, %add3A_132 : vector<16xi32>
      %mul3A_134 = arith.constant 16 : i32
      %mul3A_135 = vector.broadcast %mul3A_134 : i32 to vector<16xi32>
      %mul3A_136 = arith.muli %iota3A, %mul3A_135 : vector<16xi32>
      %add3A_137 = vector.broadcast %mul3A_20 : i32 to vector<16xi32>
      %add3A_138 = arith.addi %add3A_137, %mul3A_136 : vector<16xi32>
      %add3A_139 = arith.constant 10 : i32
      %add3A_140 = vector.broadcast %add3A_139 : i32 to vector<16xi32>
      %add3A_141 = arith.addi %add3A_138, %add3A_140 : vector<16xi32>
      tpu.vector_store_idx %arg6[%add3A_141], %add3A_133 : memref<8192xi32, #tpu.memory_space<vmem>>[vector<16xi32>], vector<16xi32>,
      %add3A_142 = arith.constant 10 : i32
      %add3A_143 = vector.broadcast %add3A_142 : i32 to vector<16xi32>
      %add3A_144 = arith.addi %mul3A_18, %add3A_143 : vector<16xi32>
      %mul3A_145 = arith.constant 16 : i32
      %mul3A_146 = vector.broadcast %mul3A_145 : i32 to vector<16xi32>
      %mul3A_147 = arith.muli %iota3A, %mul3A_146 : vector<16xi32>
      %add3A_148 = vector.broadcast %mul3A_20 : i32 to vector<16xi32>
      %add3A_149 = arith.addi %add3A_148, %mul3A_147 : vector<16xi32>
      %add3A_150 = arith.constant 11 : i32
      %add3A_151 = vector.broadcast %add3A_150 : i32 to vector<16xi32>
      %add3A_152 = arith.addi %add3A_149, %add3A_151 : vector<16xi32>
      tpu.vector_store_idx %arg6[%add3A_152], %add3A_144 : memref<8192xi32, #tpu.memory_space<vmem>>[vector<16xi32>], vector<16xi32>,
      %add3A_153 = arith.constant 10 : i32
      %add3A_154 = vector.broadcast %add3A_153 : i32 to vector<16xi32>
      %add3A_155 = arith.addi %mul3A_18, %add3A_154 : vector<16xi32>
      %mul3A_156 = arith.constant 16 : i32
      %mul3A_157 = vector.broadcast %mul3A_156 : i32 to vector<16xi32>
      %mul3A_158 = arith.muli %iota3A, %mul3A_157 : vector<16xi32>
      %add3A_159 = vector.broadcast %mul3A_20 : i32 to vector<16xi32>
      %add3A_160 = arith.addi %add3A_159, %mul3A_158 : vector<16xi32>
      %add3A_161 = arith.constant 12 : i32
      %add3A_162 = vector.broadcast %add3A_161 : i32 to vector<16xi32>
      %add3A_163 = arith.addi %add3A_160, %add3A_162 : vector<16xi32>
      tpu.vector_store_idx %arg6[%add3A_163], %add3A_155 : memref<8192xi32, #tpu.memory_space<vmem>>[vector<16xi32>], vector<16xi32>,
      %add3A_164 = arith.constant 10 : i32
      %add3A_165 = vector.broadcast %add3A_164 : i32 to vector<16xi32>
      %add3A_166 = arith.addi %mul3A_18, %add3A_165 : vector<16xi32>
      %mul3A_167 = arith.constant 16 : i32
      %mul3A_168 = vector.broadcast %mul3A_167 : i32 to vector<16xi32>
      %mul3A_169 = arith.muli %iota3A, %mul3A_168 : vector<16xi32>
      %add3A_170 = vector.broadcast %mul3A_20 : i32 to vector<16xi32>
      %add3A_171 = arith.addi %add3A_170, %mul3A_169 : vector<16xi32>
      %add3A_172 = arith.constant 13 : i32
      %add3A_173 = vector.broadcast %add3A_172 : i32 to vector<16xi32>
      %add3A_174 = arith.addi %add3A_171, %add3A_173 : vector<16xi32>
      tpu.vector_store_idx %arg6[%add3A_174], %add3A_166 : memref<8192xi32, #tpu.memory_space<vmem>>[vector<16xi32>], vector<16xi32>,
      %add3A_175 = arith.constant 10 : i32
      %add3A_176 = vector.broadcast %add3A_175 : i32 to vector<16xi32>
      %add3A_177 = arith.addi %mul3A_18, %add3A_176 : vector<16xi32>
      %mul3A_178 = arith.constant 16 : i32
      %mul3A_179 = vector.broadcast %mul3A_178 : i32 to vector<16xi32>
      %mul3A_180 = arith.muli %iota3A, %mul3A_179 : vector<16xi32>
      %add3A_181 = vector.broadcast %mul3A_20 : i32 to vector<16xi32>
      %add3A_182 = arith.addi %add3A_181, %mul3A_180 : vector<16xi32>
      %add3A_183 = arith.constant 14 : i32
      %add3A_184 = vector.broadcast %add3A_183 : i32 to vector<16xi32>
      %add3A_185 = arith.addi %add3A_182, %add3A_184 : vector<16xi32>
      tpu.vector_store_idx %arg6[%add3A_185], %add3A_177 : memref<8192xi32, #tpu.memory_space<vmem>>[vector<16xi32>], vector<16xi32>,
      %add3A_186 = arith.constant 10 : i32
      %add3A_187 = vector.broadcast %add3A_186 : i32 to vector<16xi32>
      %add3A_188 = arith.addi %mul3A_18, %add3A_187 : vector<16xi32>
      %mul3A_189 = arith.constant 16 : i32
      %mul3A_190 = vector.broadcast %mul3A_189 : i32 to vector<16xi32>
      %mul3A_191 = arith.muli %iota3A, %mul3A_190 : vector<16xi32>
      %add3A_192 = vector.broadcast %mul3A_20 : i32 to vector<16xi32>
      %add3A_193 = arith.addi %add3A_192, %mul3A_191 : vector<16xi32>
      %add3A_194 = arith.constant 15 : i32
      %add3A_195 = vector.broadcast %add3A_194 : i32 to vector<16xi32>
      %add3A_196 = arith.addi %add3A_193, %add3A_195 : vector<16xi32>
      tpu.vector_store_idx %arg6[%add3A_196], %add3A_188 : memref<8192xi32, #tpu.memory_space<vmem>>[vector<16xi32>], vector<16xi32>,
    }
    %scan3A_7 = arith.constant 32 : i32
    %dma_start3A = arith.constant 0 : i32
    %dma_start3A_8 = tpu.memref_slice %arg3[%dma_start3A] : memref<11000000xf32, #tpu.memory_space<hbm>> -> memref<11000000xf32, #tpu.memory_space<hbm>>
    tpu.enqueue_indirect_dma source(%dma_start3A_8 : memref<11000000xf32, #tpu.memory_space<hbm>>) target(%arg7 : memref<8192xf32, #tpu.memory_space<vmem>>) offsets(%arg6 : memref<8192xi32, #tpu.memory_space<vmem>>) semaphore(%arg8 : memref<!tpu.dma_semaphore, #tpu.memory_space<semaphore_mem>>)
    %dma_wait3A = arith.constant 0 : i32
    %dma_wait3A_9 = tpu.memref_slice %arg3[%dma_wait3A] : memref<11000000xf32, #tpu.memory_space<hbm>> -> memref<11000000xf32, #tpu.memory_space<hbm>>
    tpu.wait_indirect_dma semaphore(%arg8 : memref<!tpu.dma_semaphore, #tpu.memory_space<semaphore_mem>>) src(%dma_wait3A_9 : memref<11000000xf32, #tpu.memory_space<hbm>>) dst(%arg7 : memref<8192xf32, #tpu.memory_space<vmem>>)
    %mul3A_10 = arith.constant 8192 : i32
    %mul3A_11 = arith.muli %add3A, %mul3A_10 : i32
    "tpu.region"() ({
      %run_scoped3A = tpu.sem_alloc : memref<!tpu.dma_semaphore, #tpu.memory_space<semaphore_mem>>
      %dma_start3A_12 = tpu.memref_slice %arg4[%mul3A_11] : memref<262144xf32, #tpu.memory_space<hbm>> -> memref<8192xf32, #tpu.memory_space<hbm>>
      %dma_start3A_13 = tpu.memref_slice %arg4[%mul3A_11] : memref<262144xf32, #tpu.memory_space<hbm>> -> memref<8192xf32, #tpu.memory_space<hbm>>
      tpu.enqueue_dma source(%arg7 : memref<8192xf32, #tpu.memory_space<vmem>>) target(%dma_start3A_13 : memref<8192xf32, #tpu.memory_space<hbm>>) target_semaphore(%run_scoped3A : memref<!tpu.dma_semaphore, #tpu.memory_space<semaphore_mem>>)
      %dma_wait3A_14 = tpu.memref_slice %arg4[%mul3A_11] : memref<262144xf32, #tpu.memory_space<hbm>> -> memref<8192xf32, #tpu.memory_space<hbm>>
      %dma_wait3A_15 = tpu.memref_slice %arg4[%mul3A_11] : memref<262144xf32, #tpu.memory_space<hbm>> -> memref<8192xf32, #tpu.memory_space<hbm>>
      tpu.wait_dma2 semaphore(%run_scoped3A : memref<!tpu.dma_semaphore, #tpu.memory_space<semaphore_mem>>) src(%arg7 : memref<8192xf32, #tpu.memory_space<vmem>>) dst(%dma_wait3A_15 : memref<8192xf32, #tpu.memory_space<hbm>>)
      tpu.yield
    }) : () -> ()
    return
  }
}

</mosaic_0001>

<sc_bundles>
// kernel: kernel.3.cloned.1.call-start
scs
__scs_entry_jumppad:
0x0: {  	(pc) =	sbr.rel $0x88, $3  }
0x1: {  	(tag) =	ssettag $0x0;
	lr =	simm.s32 $0x1  }
0x2: {  	[smem:$0x3F9F] =	sst lr;
	_ =	strace $0xD0000000  }
0x3: {  	_ = 	snop  }
0x4: {  	_ = 	snop  }
0x5: {  	_ = 	snop  }
0x6: {  	_ = 	snop  }
0x7: {  	_ = 	snop  }
__scs_overlays_trampoline_lowered:
0x8: {  	[smem:$0x3FAE] =	sst s0  }
0x9: {  	[smem:$0x3FAF] =	sst s1  }
0xa: {  	[smem:$0x3FB0] =	sst s2  }
0xb: {  	[smem:$0x3FB1] =	sst s3  }
0xc: {  	[smem:$0x3FB2] =	sst s4  }
0xd: {  	[smem:$0x3FB3] =	sst s5  }
0xe: {  	[smem:$0x3FB4] =	sst s6  }
0xf: {  	[smem:$0x3FB5] =	sst s7  }
0x10: {  	[smem:$0x3FB6] =	sst s8  }
0x11: {  	[smem:$0x3FB7] =	sst s9;
	s0 =	simm.s32 @!p0 $0x0  }
0x12: {  	s1 =	sld [smem:$0x3F9D];
	s0 =	simm.s32 @p0 $0x1  }
0x13: {  	[smem:$0x3FB8] =	sst s0;
	s0 =	simm.s32 @!p1 $0x0  }
0x14: {  	s2 =	sld [smem:$0x3F9C];
	s0 =	simm.s32 @p1 $0x1  }
0x15: {  	[smem:$0x3FB9] =	sst s0;
	s0 =	simm.s32 @!p2 $0x0  }
0x16: {  	s3 =	sld [smem:$0x3FDB];
	s0 =	simm.s32 @p2 $0x1  }
0x17: {  	s4 =	simm.s32 $0x1BF5;
	[smem:$0x3FBB] =	sst s0  }
0x18: {  	s0 =	sld [smem:$0x3F9E];
	_ =	swait.ge [sflag:s4], $0x0  }
0x19: {  	s7 =	sld [smem:$0x3F9F]  }
0x1a: {  	s8 =	sadd.s32 $0xFFFFE003, lr  }
0x1b: {  	s9 =	sadd.s32 $0xFFFFFEF7, lr;
	s5 =	simm.s32 $0xFFFFFFFF;
	p2 =	slt.u32 s8, $0xFFFFF086  }
0x1c: {  	p1 =	slt.u32 s9, $0xF7A;
	s5 =	simm.s32 @!p2 $0x0  }
0x1d: {  	s5 =	simm.s32 @p1 $0x1;
	p0 =	seq.s32 s7, s2  }
0x1e: {  	s7 =	smul.u32 @!p0 $0xF7A, s2;
	p2 =	seq.s32 @!p0 s5, $0x0  }
0x1f: {  	s9 =	smul.u32 $0xF7A, s1;
	s8 =	simm.s32 @!p0 $0x1BF5;
	p2 =	por !p2, p0  }
0x20: {  	[sflag:s8] =	ssyncset.s32 @!p0 $0xFFFFF086;
	s6 =	sadd.s32 @!p0 s3, s7;
	s7 =	simm.s32 @!p0 $0x108  }
0x21: {  	s3 =	sadd.s32 s3, s9;
	s6 =	sadd.s32 @!p0 $0x88, s6;
	s7 =	simm.s32 @p2 $0x1082  }
0x22: {  	[simem:s7], [sflag:s8] =	dma.local @!p0 [hbm:s6], $0xF7A  }
0x23: {  	s9 =	sor.u32 $0xD0000000, s2;
	s6 =	simm.s32 $0x108;
	_ =	swait.ge @!p0 [sflag:s8], $0x0  }
0x24: {  	s3 =	sadd.s32 $0x88, s3;
	s6 =	simm.s32 @!p1 $0x1082;
	[sflag:s4] =	ssyncset.s32 $0xFFFFF086  }
0x25: {  	[simem:s6], [sflag:s4] =	dma.local [hbm:s3], $0xF7A  }
0x26: {  	[smem:$0x3F9F] =	sst s1;
	(tag) =	ssettag s2;
	_ =	strace s9  }
0x27: {  	s1 =	sld [smem:$0x3FAF]  }
0x28: {  	s2 =	sld [smem:$0x3FB0]  }
0x29: {  	s4 =	sld [smem:$0x3FB2]  }
0x2a: {  	p0 =	seq.s32 s5, $0x0;
	s5 =	sld [smem:$0x3FB3]  }
0x2b: {  	s6 =	sld [smem:$0x3FB4]  }
0x2c: {  	s7 =	sld [smem:$0x3FB5]  }
0x2d: {  	s3 =	simm.s32 $0x108;
	s8 =	sld [smem:$0x3FB6]  }
0x2e: {  	s3 =	simm.s32 @!p0 $0x1082;
	s9 =	sld [smem:$0x3FB7]  }
0x2f: {  	lr =	sadd.s32 s0, s3;
	s0 =	sld [smem:$0x3FAE]  }
0x30: {  	s3 =	sld [smem:$0x3FB1]  }
0x31: {  	[smem:$0x3FBA] =	sst s10  }
0x32: {  	s10 =	sld [smem:$0x3FB8];
	_ =	sdelay $0x3  }
0x33: {  	p0 =	seq.s32 s10, $0x1;
	s10 =	sld [smem:$0x3FBA];
	_ =	sdelay $0x3  }
0x34: {  	[smem:$0x3FBA] =	sst s10  }
0x35: {  	s10 =	sld [smem:$0x3FB9];
	_ =	sdelay $0x3  }
0x36: {  	p1 =	seq.s32 s10, $0x1;
	s10 =	sld [smem:$0x3FBA];
	_ =	sdelay $0x3  }
0x37: {  	[smem:$0x3FBA] =	sst s10  }
0x38: {  	s10 =	sld [smem:$0x3FBB]  }
0x39: {  	_ = 	snop;
	(pc) =	sbr.ind lr, $3  }
0x3a: {  	_ = 	snop  }
0x3b: {  	_ = 	snop  }
0x3c: {  	p2 =	seq.s32 s10, $0x1;
	s10 =	sld [smem:$0x3FBA]  }
0x3d: {  	_ =	shalt  }
0x3e: {  	_ =	shalt  }
0x3f: {  	_ =	shalt  }
0x40: {  	_ =	shalt  }
0x41: {  	_ =	shalt  }
0x42: {  	_ =	shalt  }
0x43: {  	_ =	shalt  }
0x44: {  	_ =	shalt  }
0x45: {  	_ =	shalt  }
0x46: {  	_ =	shalt  }
0x47: {  	_ =	shalt  }
0x48: {  	_ =	shalt  }
0x49: {  	_ =	shalt  }
0x4a: {  	_ =	shalt  }
0x4b: {  	_ =	shalt  }
0x4c: {  	_ =	shalt  }
0x4d: {  	_ =	shalt  }
0x4e: {  	_ =	shalt  }
0x4f: {  	_ =	shalt  }
0x50: {  	_ =	shalt  }
0x51: {  	_ =	shalt  }
0x52: {  	_ =	shalt  }
0x53: {  	_ =	shalt  }
0x54: {  	_ =	shalt  }
0x55: {  	_ =	shalt  }
0x56: {  	_ =	shalt  }
0x57: {  	_ =	shalt  }
0x58: {  	_ =	shalt  }
0x59: {  	_ =	shalt  }
0x5a: {  	_ =	shalt  }
0x5b: {  	_ =	shalt  }
0x5c: {  	_ =	shalt  }
0x5d: {  	_ =	shalt  }
0x5e: {  	_ =	shalt  }
0x5f: {  	_ =	shalt  }
0x60: {  	_ =	shalt  }
0x61: {  	_ =	shalt  }
0x62: {  	_ =	shalt  }
0x63: {  	_ =	shalt  }
0x64: {  	_ =	shalt  }
0x65: {  	_ =	shalt  }
0x66: {  	_ =	shalt  }
0x67: {  	_ =	shalt  }
0x68: {  	_ =	shalt  }
0x69: {  	_ =	shalt  }
0x6a: {  	_ =	shalt  }
0x6b: {  	_ =	shalt  }
0x6c: {  	_ =	shalt  }
0x6d: {  	_ =	shalt  }
0x6e: {  	_ =	shalt  }
0x6f: {  	_ =	shalt  }
0x70: {  	_ =	shalt  }
0x71: {  	_ =	shalt  }
0x72: {  	_ =	shalt  }
0x73: {  	_ =	shalt  }
0x74: {  	_ =	shalt  }
0x75: {  	_ =	shalt  }
0x76: {  	_ =	shalt  }
0x77: {  	_ =	shalt  }
0x78: {  	_ =	shalt  }
0x79: {  	_ =	shalt  }
0x7a: {  	_ =	shalt  }
0x7b: {  	_ =	shalt  }
0x7c: {  	_ =	shalt  }
0x7d: {  	_ =	shalt  }
0x7e: {  	_ =	shalt  }
0x7f: {  	_ =	shalt  }
0x80: {  	_ =	shalt  }
0x81: {  	_ =	shalt  }
0x82: {  	_ =	shalt  }
0x83: {  	_ =	shalt  }
0x84: {  	_ =	shalt  }
0x85: {  	_ =	shalt  }
0x86: {  	_ =	shalt  }
0x87: {  	_ =	shalt  }
.Lfunc_end0:
.L_simem_size_0:
called_computation_lowered:
.L_overlay_start_0:
0x88: {  	s2 =	sld [smem:$0x3FD9]  }
0x89: {  	s3 =	sld [smem:$0x3FFE];
	_ =	sdelay $0x1  }
0x8a: {  	s1 =	srdreg.scid  }
0x8b: {  	s0 =	sand.u32 $0x1, s1  }
0x8c: {  	s17 =	sshll.u32 s0, $0xA;
	s2 =	sadd.s32 s3, s2  }
0x8d: {  	s2 =	sadd.s32 s2, s17  }
0x8e: {  	[smem:$0x3FC6] =	sst s2  }
0x8f: {  	_ = 	snop  }
0x90: {  	s2 =	sld [smem:$0x3FC9]  }
0x91: {  	s18 =	sld [smem:$0x3FD0];
	(tm) =	ssettm $0x1  }
0x92: {  	s4 =	sld [smem:$0x3FFB];
	_ =	sdelay $0x3  }
0x93: {  	_ =	strace s4  }
0x94: {  	s4 =	sld [smem:$0x3FFC];
	_ =	sdelay $0x3  }
0x95: {  	_ =	strace s4  }
0x96: {  	s4 =	sld [smem:$0x3FFD];
	_ =	sdelay $0x3  }
0x97: {  	_ =	strace s4  }
0x98: {  	_ =	strace $0x8FFFFFFF  }
0x99: {  	s19 =	sld [smem:$0x3FDB];
	_ =	sdelay $0x1  }
0x9a: {  	s5 =	simm.s32 $_scs_section_size  }
0x9b: {  	s6 =	simm.s32 $_size__tile_overlayer_lowered;
	s7 =	simm.s32 $_tile_overlayer_lowered  }
0x9c: {  	s22 =	simm.s32 $0x1BFF;
	s21 =	sshll.u32 s7, $0x1;
	s4 =	sadd.s32 s5, s19  }
0x9d: {  	s8 =	simm.s32 $0x0;
	s20 =	sshll.u32 s6, $0x1;
	s6 =	sadd.s32 s21, s4  }
0x9e: {  	[timem:s8], [sflag:s22] =	dma.local [hbm:s6], s20  }
0x9f: {  	_ =	swait.ge [sflag:s22], s20  }
0xa0: {  	s5 =	ssub.s32 $0x0, s20;
	[sflag:s22] =	ssyncset.done $0x0  }
0xa1: {  	[sflag:s22] =	ssyncadd.s32 s5;
	_ =	sdelay $0x1  }
0xa2: {  	s23 =	simm.s32 $0x1B8B  }
0xa3: {  	_ =	swait.ge [sflag:s23], $0x1  }
0xa4: {  	[sflag:s23] =	ssyncset.done $0x0  }
0xa5: {  	s25 =	simm.s32 $0x1B8E;
	s24 =	sld [smem:$0x3FFE];
	[sflag:s23] =	ssyncadd.s32 $0xFFFFFFFF  }
0xa6: {  	s26 =	simm.s32 $execute0_lowered;
	[smem:$0x3FD2] =	sst s25  }
0xa7: {  	s6 =	sshll.u32 s26, $0x1;
	_ =	strace $0x80000046;
	[dreg:$0x1] =	wrdreg $0xFFFFFFFF  }
0xa8: {  	s28 =	simm.s32 $_size_execute0_lowered;
	s4 =	sadd.s32 s4, s6;
	[dreg:$0x0] =	wrdreg $0x0  }
0xa9: {  	s6 =	sshll.u32 s28, $0x1;
	[dreg:$0x2] =	wrdreg s4  }
0xaa: {  	[dreg:$0x3] =	wrdreg s6  }
0xab: {  	[dreg:$0x4] =	wrdreg $0xC0  }
0xac: {  	_ =	task [dreg:s8], $0x5FFFF  }
0xad: {  	[dreg:$0x1] =	wrdreg $0xFFFFFFFF  }
0xae: {  	[dreg:$0x0] =	wrdreg $0x60  }
0xaf: {  	[dreg:$0x2] =	wrdreg s2  }
0xb0: {  	[dreg:$0x3] =	wrdreg s24  }
0xb1: {  	[dreg:$0x4] =	wrdreg s18  }
0xb2: {  	[dreg:$0x5] =	wrdreg $0x9  }
0xb3: {  	_ =	task.clear_ibuf [dreg:s8], $0x6FFFF;
	_ =	strace $0x90000046  }
0xb4: {  	s29 =	simm.s32 $0x9;
	_ =	strace $0x80000048  }
0xb5: {  	_ =	swait.ge [sflag:s29], $0x1  }
0xb6: {  	[sflag:s29] =	ssyncadd.s32 $0xFFFFFFFF  }
0xb7: {  	_ =	strace $0x90000048  }
0xb8: {  	_ =	sfence  }
0xb9: {  	s30 =	sld [smem:$0x0];
	_ =	sdelay $0x2  }
0xba: {  	s31 =	sshll.u32 s1, $0xD;
	s1 =	sshrl.u32 s1, $0x2  }
0xbb: {  	s3 =	sand.u32 $0x4000, s31;
	s1 =	sadd.s32 s1, s30  }
0xbc: {  	s0 =	sor.u32 s3, s0;
	s1 =	sshll.u32 s1, $0x11  }
0xbd: {  	s0 =	sor.u32 s1, s0  }
0xbe: {  	s0 =	sadd.s32 $0x8F2B, s0  }
0xbf: {  	[sflag:s0] =	ssyncadd.remote.s32 $0x1  }
0xc0: {  	_ =	sfence.sel $0xFFFF  }
0xc1: {  	[dreg:$0x0] =	wrdreg $0xFFFFFFFF;
	(pc) =	sbr.abs _section_cstart, $3  }
0xc2: {  	[dreg:$0x1] =	wrdreg $0xFFFFFFFF  }
0xc3: {  	_ =	task.clear_ibuf [dreg:s8], $0x2FFFF;
	_ =	strace $0x9FFFFFFF  }
0xc4: {  	(tm) =	ssettm $0x7FFFFFFF  }
0xc5: {  	_ =	shalt  }
tec
execute0_lowered:
.L_overlay_start_1:
0x0: {  	(tag) =	ssettag $0x1  }
0x1: {  	s4 =	rddreg [dreg:$0x0]  }
0x2: {  	s3 =	rddreg [dreg:$0x1]  }
0x3: {  	s5 =	rddreg [dreg:$0x2]  }
0x4: {  	s0 =	rddreg [dreg:$0x3];
	s2 =	simm.s32 $0x0;
	s6 =	srdreg.scid;
	v0 =	vlaneseq.u32  }
0x5: {  	s1 =	stileid.u32;
	s10 =	simm.s32 $0x2200;
	s11 =	simm.s32 $0x1;
	v0 =	vmul.u32 $0x10, v0  }
0x6: {  	s12 =	simm.s32 $0x0;
	[smem:$0x7FF] =	sst s2;
	s6 =	sand.u32 $0x1, s6  }
0x7: {  	s8 =	sshll.u32 s1, $0x1;
	s3 =	sadd.s32 $0xF42800, s3;
	s7 =	ssub.s32 $0x2, s6;
	v1 =	vor.u32 $0x1, v0;
	v2 =	vor.u32 $0x2, v0;
	v3 =	vor.u32 $0x3, v0  }
0x8: {  	_ =	strace $0x80000047;
	s6 =	sor.u32 s6, s8;
	s9 =	sshrl.u32 s7, $0x1;
	v4 =	vor.u32 $0x4, v0;
	v5 =	vor.u32 $0x5, v0;
	v6 =	vor.u32 $0x6, v0  }
0x9: {  	s8 =	sshll.u32 s6, $0x6;
	s6 =	sshll.u32 s6, $0xA;
	v7 =	vor.u32 $0x7, v0;
	v8 =	vor.u32 $0x8, v0;
	v9 =	vor.u32 $0x9, v0;
	s7 =	ssub.s32 s7, s9  }
0xa: {  	v10 =	vor.u32 $0xA, v0;
	v11 =	vor.u32 $0xB, v0;
	v12 =	vor.u32 $0xC, v0;
	s4 =	sadd.s32 s4, s8;
	s5 =	sadd.s32 s5, s6;
	s8 =	simm.s32 $0x200  }
0xb: {  	v13 =	vor.u32 $0xD, v0;
	v14 =	vor.u32 $0xE, v0;
	v15 =	vor.u32 $0xF, v0;
	s9 =	simm.s32 $0x2000;
	s6 =	smax.u32 s7, $0x1;
	s7 =	simm.s32 $0x2  }
.LBB2_1:
0xc: {  	[tilespmem:s2], [sflag:$0x2] =	stream.linear.gather [hbm4b:s4+s2], $0x200, $0x38;
	[tilespmem:$0x4200] =	vst v63  }
0xd: {  	_ =	swait.ge [sflag:s7], $0x200  }
0xe: {  	[sflag:s7] =	ssyncset.done $0x0  }
0xf: {  	[sflag:s7] =	ssyncadd.s32 $0xFFFFFE00  }
0x10: {  	v16 =	vld [tilespmem:s2+$0x0];
	_ =	sdelay $0x1  }
0x11: {  	v17 =	vor.u32 s2, v0  }
0x12: {  	v18 =	vor.u32 s2, v1  }
0x13: {  	v19 =	vor.u32 s2, v2  }
0x14: {  	v20 =	vor.u32 s2, v3;
	v16 =	vmul.u32 $0xB, v16  }
0x15: {  	v21 =	vor.u32 s2, v4  }
0x16: {  	v22 =	vor.u32 s2, v5;
	[tilespmem:v17+s8+$0x0] =	vst.idx.msk $0xffff, v16;
	v17 =	vadd.s32 $0x1, v16  }
0x17: {  	[tilespmem:v18+s8+$0x0] =	vst.idx.msk $0xffff, v17;
	v17 =	vadd.s32 $0x2, v16;
	v18 =	vor.u32 s2, v6  }
0x18: {  	[tilespmem:v19+s8+$0x0] =	vst.idx.msk $0xffff, v17;
	v17 =	vadd.s32 $0x3, v16;
	v19 =	vor.u32 s2, v7  }
0x19: {  	v59 =	vor.u32 s2, v8;
	[tilespmem:v20+s8+$0x0] =	vst.idx.msk $0xffff, v17;
	v17 =	vadd.s32 $0x4, v16  }
0x1a: {  	v60 =	vor.u32 s2, v9;
	[tilespmem:v21+s8+$0x0] =	vst.idx.msk $0xffff, v17;
	v17 =	vadd.s32 $0x5, v16  }
0x1b: {  	v61 =	vor.u32 s2, v10;
	[tilespmem:v22+s8+$0x0] =	vst.idx.msk $0xffff, v17;
	v17 =	vadd.s32 $0x6, v16  }
0x1c: {  	[tilespmem:v18+s8+$0x0] =	vst.idx.msk $0xffff, v17;
	v17 =	vadd.s32 $0x7, v16;
	v18 =	vor.u32 s2, v11  }
0x1d: {  	[tilespmem:v19+s8+$0x0] =	vst.idx.msk $0xffff, v17;
	v17 =	vadd.s32 $0x8, v16;
	v19 =	vor.u32 s2, v12  }
0x1e: {  	v62 =	vor.u32 s2, v13;
	[tilespmem:v59+s8+$0x0] =	vst.idx.msk $0xffff, v17;
	v17 =	vadd.s32 $0x9, v16  }
0x1f: {  	v63 =	vor.u32 s2, v14;
	v16 =	vadd.s32 $0xA, v16;
	[tilespmem:v60+s8+$0x0] =	vst.idx.msk $0xffff, v17  }
0x20: {  	[tilespmem:v61+s8+$0x0] =	vst.idx.msk $0xffff, v16  }
0x21: {  	v17 =	vor.u32 s2, v15;
	[tilespmem:v18+s8+$0x0] =	vst.idx.msk $0xffff, v16  }
0x22: {  	[tilespmem:v19+s8+$0x0] =	vst.idx.msk $0xffff, v16  }
0x23: {  	[tilespmem:v62+s8+$0x0] =	vst.idx.msk $0xffff, v16  }
0x24: {  	s13 =	simm.s32 $0x100;
	s14 =	simm.s32 $0x0;
	[tilespmem:v63+s8+$0x0] =	vst.idx.msk $0xffff, v16  }
.LBB2_2:
0x25: {  	p0 =	sne.s32 s13, $0x1F00  }
0x26: {  	[tilespmem:v17+s8+$0x0] =	vst.idx.msk $0xffff, v16;
	s14 =	sadd.s32 $0x10, s14;
	s15 =	smov.u32 s13;
	s13 =	sadd.s32 $0x100, s13  }
0x27: {  	v16 =	vld [tilespmem:s14+$0x0];
	_ =	sdelay $0x1  }
0x28: {  	v17 =	vor.u32 s15, v0  }
0x29: {  	v18 =	vor.u32 s15, v1  }
0x2a: {  	v19 =	vor.u32 s15, v2  }
0x2b: {  	v20 =	vor.u32 s15, v3;
	v16 =	vmul.u32 $0xB, v16  }
0x2c: {  	v21 =	vor.u32 s15, v4  }
0x2d: {  	v22 =	vor.u32 s15, v5;
	[tilespmem:v17+s8+$0x0] =	vst.idx.msk $0xffff, v16;
	v17 =	vadd.s32 $0x1, v16  }
0x2e: {  	[tilespmem:v18+s8+$0x0] =	vst.idx.msk $0xffff, v17;
	v17 =	vadd.s32 $0x2, v16;
	v18 =	vor.u32 s15, v6  }
0x2f: {  	[tilespmem:v19+s8+$0x0] =	vst.idx.msk $0xffff, v17;
	v17 =	vadd.s32 $0x3, v16;
	v19 =	vor.u32 s15, v7  }
0x30: {  	[tilespmem:v20+s8+$0x0] =	vst.idx.msk $0xffff, v17;
	v17 =	vadd.s32 $0x4, v16;
	v20 =	vor.u32 s15, v8  }
0x31: {  	[tilespmem:v21+s8+$0x0] =	vst.idx.msk $0xffff, v17;
	v17 =	vadd.s32 $0x5, v16;
	v21 =	vor.u32 s15, v9  }
0x32: {  	[tilespmem:v22+s8+$0x0] =	vst.idx.msk $0xffff, v17;
	v17 =	vadd.s32 $0x6, v16;
	v22 =	vor.u32 s15, v10  }
0x33: {  	[tilespmem:v18+s8+$0x0] =	vst.idx.msk $0xffff, v17;
	v17 =	vadd.s32 $0x7, v16;
	v18 =	vor.u32 s15, v11  }
0x34: {  	[tilespmem:v19+s8+$0x0] =	vst.idx.msk $0xffff, v17;
	v17 =	vadd.s32 $0x8, v16;
	v19 =	vor.u32 s15, v12  }
0x35: {  	[tilespmem:v20+s8+$0x0] =	vst.idx.msk $0xffff, v17;
	v17 =	vadd.s32 $0x9, v16;
	v20 =	vor.u32 s15, v13  }
0x36: {  	v16 =	vadd.s32 $0xA, v16;
	[tilespmem:v21+s8+$0x0] =	vst.idx.msk $0xffff, v17;
	v21 =	vor.u32 s15, v14  }
.Ltmp0:
0x37: {  	v17 =	vor.u32 s15, v15;
	[tilespmem:v22+s8+$0x0] =	vst.idx.msk $0xffff, v16;
	(pc) =	sbr.rel @p0 .LBB2_2-.Ltmp0, $4  }
0x38: {  	[tilespmem:v18+s8+$0x0] =	vst.idx.msk $0xffff, v16  }
0x39: {  	[tilespmem:v19+s8+$0x0] =	vst.idx.msk $0xffff, v16  }
0x3a: {  	[tilespmem:v20+s8+$0x0] =	vst.idx.msk $0xffff, v16  }
0x3b: {  	[tilespmem:v21+s8+$0x0] =	vst.idx.msk $0xffff, v16  }
0x3c: {  	_ =	sdelay $0x3  }
0x3d: {  	[tilespmem:v17+s8+$0x0] =	vst.idx.msk $0xffff, v16  }
0x3e: {  	[tilespmem:s10], [sflag:$0x1] =	stream.indirect.gather [hbm4b:s3+s9], $0x1, s8, s9, $0xb8;
	[tilespmem:$0x4200] =	vst v63  }
0x3f: {  	s12 =	sadd.s32 $0x1, s12;
	_ =	swait.ge [sflag:s11], $0x2000  }
0x40: {  	p0 =	sne.s32 s12, s6;
	[sflag:s11] =	ssyncset.done $0x0  }
.Ltmp1:
0x41: {  	[sflag:s11] =	ssyncadd.s32 $0xFFFFE000;
	(pc) =	sbr.rel @p0 .LBB2_1-.Ltmp1, $4  }
0x42: {  	[hbm4b:s5+s2] =	stream.linear.scatter [tilespmem:s10], [sflag:$0x2], $0x2000, $0x38;
	[tilespmem:$0x4200] =	vst v63  }
0x43: {  	_ =	swait.ge [sflag:s7], $0x2000  }
0x44: {  	[sflag:s7] =	ssyncset.done $0x0  }
0x45: {  	[sflag:s7] =	ssyncadd.s32 $0xFFFFE000  }
0x46: {  	_ =	sfence.sel $0x180000  }
0x47: {  	[bflag:$0x0] =	sbarrier.arrive $0xFFFF  }
0x48: {  	p0 =	sne.s32 s1, $0x0;
	_ =	strace $0x90000047  }
0x49: {  	s0 =	sadd.s32 @!p0 $0x100000, s0;
	[bflag:$0x2] =	sbarrier.arrive $0xFFFF  }
0x4a: {  	[sflag:s0] =	ssyncadd.tile.s32 @!p0 $0x1;
	_ =	shalt  }
.Lfunc_end2:
_tile_overlayer_lowered:
.L_overlay_start_2:
0x4b: {  	(tag) =	ssettag $0x2  }
0x4c: {  	s0 =	rddreg [dreg:$0x0];
	s2 =	stileid.u32  }
0x4d: {  	s1 =	rddreg [dreg:$0x1];
	p0 =	sne.s32 s2, $0x0  }
0x4e: {  	s3 =	rddreg [dreg:$0x2];
	[bflag:$0x3] =	sbarrier.arrive $0xFFFF;
	s2 =	simm.s32 @!p0 $0x1C02  }
0x4f: {  	[timem:s3], [sflag:s2] =	dma.local @!p0 [hbm:s0], s1  }
0x50: {  	s0 =	simm.s32 @!p0 $0x2  }
0x51: {  	_ =	swait.ge @!p0 [sflag:s0], s1  }
0x52: {  	s1 =	ssub.s32 @!p0 $0x0, s1;
	[sflag:s0] =	ssyncset.done @!p0 $0x0  }
0x53: {  	[sflag:s0] =	ssyncadd.s32 @!p0 s1  }
0x54: {  	[bflag:$0x3] =	sbarrier.arrive $0xFFFF  }
0x55: {  	_ =	shalt  }

</sc_bundles>
